<compile_context>
chip_gen: v7x
topology: tpu7x:2x2x1
jax: 0.10.2.dev20260603
libtpu: 0.0.44.dev20260713+nightly
codegen_flags: <defaults>
</compile_context>

<pallas_src>
import functools

import jax
import jax.numpy as jnp
from jax import lax
from jax.experimental import pallas as pl
from jax.experimental.pallas import tpu as pltpu
from jax.experimental.pallas import tpu_sc as plsc

M, N, DIM = 32, 32, 256
K = M * N
B = 256
T2_INV = 1.0 / (100.0 * 100.0)

_INFO = plsc.get_sparse_core_info()
NC, NS, L = _INFO.num_cores, _INFO.num_subcores, _INFO.num_lanes
NW = NC * NS
ROWS_PER_W = B // NW
CHUNKS = K // L
BIG = 1 << 30


def _dist_body(x_ref, wt_ref, dist_ref):
    x = x_ref[...]
    wt = wt_ref[...]
    xw = lax.dot_general(
        x, wt, (((1,), (0,)), ((), ())),
        preferred_element_type=jnp.float32,
        precision=lax.Precision.HIGHEST,
    )
    w2 = jnp.sum(wt * wt, axis=0, keepdims=True)
    x2 = jnp.sum(x * x, axis=1, keepdims=True)
    dist_ref[...] = (w2 - 2.0 * xw) + x2


def _rot(v, s):
    idx = jnp.bitwise_and(lax.iota(jnp.int32, L) + s, L - 1)
    return lax.gather(
        v, idx[:, None],
        lax.GatherDimensionNumbers(
            offset_dims=(), collapsed_slice_dims=(0,), start_index_map=(0,)),
        slice_sizes=(1,),
        mode=lax.GatherScatterMode.PROMISE_IN_BOUNDS)


def _xlane_min(v):
    s = 1
    while s < L:
        v = jnp.minimum(v, _rot(v, s))
        s *= 2
    return v


def _sc_body(dist_hbm, out_hbm, dist_v, part_v):
    wid = lax.axis_index("s") * NC + lax.axis_index("c")
    base = wid * ROWS_PER_W
    pltpu.sync_copy(dist_hbm.at[pl.ds(base, ROWS_PER_W), :], dist_v)

    lane = lax.iota(jnp.int32, L)
    total = jnp.zeros((L,), jnp.float32)
    part_v[...] = total + dist_v[0, pl.ds(0, L)]
    pltpu.sync_copy(part_v, out_hbm.at[wid])
    return
    for r in range(ROWS_PER_W):
        def argmin_step(j, carry):
            minv, minidx = carry
            v = dist_v[r, pl.ds(j * L, L)]
            better = v < minv
            minidx = jnp.where(better, lane + j * L, minidx)
            minv = jnp.minimum(v, minv)
            return minv, minidx

        minv0 = jnp.full((L,), jnp.inf, jnp.float32)
        minv, minidx = lax.fori_loop(
            0, CHUNKS, argmin_step, (minv0, jnp.full((L,), BIG, jnp.int32)))
        gminv = _xlane_min(minv)
        idxv = _xlane_min(jnp.where(minv == gminv, minidx, BIG))

        biv = (idxv >> 5).astype(jnp.float32)
        bjv = (idxv & 31).astype(jnp.float32)

        def loss_step(j, acc):
            dv = dist_v[r, pl.ds(j * L, L)]
            kvec = lane + j * L
            liv = (kvec >> 5).astype(jnp.float32)
            ljv = (kvec & 31).astype(jnp.float32)
            man = jnp.abs(liv - biv) + jnp.abs(ljv - bjv)
            return acc + dv * jnp.exp(-(man * man) * T2_INV)

        total = lax.fori_loop(0, CHUNKS, loss_step, total)

    part_v[...] = total
    pltpu.sync_copy(part_v, out_hbm.at[wid])


def kernel(inputs, som_weights, locations):
    wt = som_weights.T

    dist = pl.pallas_call(
        _dist_body,
        out_shape=jax.ShapeDtypeStruct((B, K), jnp.float32),
    )(inputs, wt)

    sc = pl.kernel(
        _sc_body,
        out_type=jax.ShapeDtypeStruct((NW, L), jnp.float32),
        mesh=plsc.VectorSubcoreMesh(core_axis_name="c", subcore_axis_name="s"),
        scratch_types=[
            pltpu.VMEM((ROWS_PER_W, K), jnp.float32),
            pltpu.VMEM((L,), jnp.float32),
        ],
    )
    partials = sc(dist)
    loss = jnp.sum(partials) * (1.0 / N)
    return som_weights, loss

# --- scband reference (transcript-rebuilt; emitter-appended) ---
"""Pipeline reference for scband-som-47631187312841 (READ-ONLY COPY).

The authoritative reference and input builder live on the scoring server;
editing this copy changes nothing except your own understanding.
"""

import jax, jax.numpy as jnp
import numpy as np

M, N, DIM, T = 32, 32, 256, 100
BATCH = 256


def setup_inputs(seed: int = 0) -> dict:
    key = jax.random.key(seed)
    k1, k2 = jax.random.split(key)
    inputs = jax.random.normal(k1, (BATCH, DIM), dtype=jnp.float32)
    som_weights = jax.random.normal(k2, (M * N, DIM), dtype=jnp.float32) * 0.05
    locations = jnp.asarray(np.array([[i, j] for i in range(M) for j in range(N)], dtype=np.float32))
    return {"inputs": inputs, "som_weights": som_weights, "locations": locations}


def reference(inputs, som_weights, locations):
    # find_bmus: squared L2 distance from every input to every SOM unit
    expanded_inputs = inputs[:, None, :].astype(jnp.float32)          # [B, 1, D]
    expanded_weights = som_weights[None, :, :].astype(jnp.float32)    # [1, K, D]
    distances = jnp.sum(jnp.square(expanded_inputs - expanded_weights), axis=2)  # [B, K]
    bmu_indices = jnp.argmin(distances, axis=1)                        # [B]

    # som loss (interpreting self.som_loss as _loss with global T=100)
    bmu_locations = jnp.take(locations, bmu_indices, axis=0)           # [B, 2]
    expanded_locations = locations.reshape(M, N, 1, 2)                 # [M, N, 1, 2]
    manhattan = jnp.sum(jnp.abs(expanded_locations - bmu_locations), axis=3)  # [M, N, B]
    manhattan = jnp.transpose(manhattan, (2, 0, 1))                    # [B, M, N]
    influence = jnp.exp(-(manhattan ** 2) / (T ** 2))                  # [B, M, N]

    reshaped_weights = som_weights.reshape(M, N, DIM)
    exp_in = inputs[:, None, None, :].astype(jnp.float32)              # [B, 1, 1, D]
    exp_w = reshaped_weights[None, :, :, :].astype(jnp.float32)        # [1, M, N, D]
    absolute_differences = jnp.square(exp_in - exp_w)                  # [B, M, N, D]
    summarized = jnp.sum(absolute_differences, axis=-1)                # [B, M, N]
    loss_term = summarized * influence
    loss_sum1 = jnp.sum(loss_term, axis=(0, 1))                        # [N]
    loss = jnp.mean(loss_sum1)                                         # scalar

    # call() returns som_weights; add_loss(loss) is a side-channel output
    return som_weights, loss

if __name__ == "__main__":
    import jax
    _d = setup_inputs()
    print(jax.jit(kernel)(*tuple(_d.values())))

</pallas_src>

<mosaic_0001>
#map = affine_map<(d0, d1) -> (0, 0)>
module attributes {stable_mosaic.version = 14 : i64} {
  func.func @_sc_body(%arg0: i32, %arg1: i32, %arg2: memref<256x1024xf32, #tpu.memory_space<hbm>>, %arg3: memref<32x16xf32, #tpu.memory_space<hbm>>, %arg4: memref<8x1024xf32, #tpu.memory_space<vmem>>, %arg5: memref<16xf32, #tpu.memory_space<vmem>>) attributes {dimension_semantics = [#tpu.dimension_semantics<core_parallel>, #tpu.dimension_semantics<subcore_parallel>], iteration_bounds = array<i64: 2, 16>, scalar_prefetch = 0 : i64, scratch_operands = 2 : i64, tpu.core_type = #tpu.core_type<sc_vector_subcore>, window_params = [{transform_indices = #map}, {transform_indices = #map}]} {
    %mul3A = arith.constant 2 : i32
    %mul3A_0 = arith.muli %arg1, %mul3A : i32
    %add3A = arith.addi %mul3A_0, %arg0 : i32
    %mul3A_1 = arith.constant 8 : i32
    %mul3A_2 = arith.muli %add3A, %mul3A_1 : i32
    "tpu.region"() ({
      %run_scoped3A = tpu.sem_alloc : memref<!tpu.dma_semaphore, #tpu.memory_space<semaphore_mem>>
      %dma_start3A = arith.constant 0 : i32
      %dma_start3A_12 = tpu.memref_slice %arg2[%mul3A_2, %dma_start3A] : memref<256x1024xf32, #tpu.memory_space<hbm>> -> memref<8x1024xf32, #tpu.memory_space<hbm>>
      %dma_start3A_13 = arith.constant 0 : i32
      %dma_start3A_14 = tpu.memref_slice %arg2[%mul3A_2, %dma_start3A_13] : memref<256x1024xf32, #tpu.memory_space<hbm>> -> memref<8x1024xf32, #tpu.memory_space<hbm>>
      tpu.enqueue_dma source(%dma_start3A_14 : memref<8x1024xf32, #tpu.memory_space<hbm>>) target(%arg4 : memref<8x1024xf32, #tpu.memory_space<vmem>>) target_semaphore(%run_scoped3A : memref<!tpu.dma_semaphore, #tpu.memory_space<semaphore_mem>>)
      %dma_wait3A = arith.constant 0 : i32
      %dma_wait3A_15 = tpu.memref_slice %arg2[%mul3A_2, %dma_wait3A] : memref<256x1024xf32, #tpu.memory_space<hbm>> -> memref<8x1024xf32, #tpu.memory_space<hbm>>
      %dma_wait3A_16 = arith.constant 0 : i32
      %dma_wait3A_17 = tpu.memref_slice %arg2[%mul3A_2, %dma_wait3A_16] : memref<256x1024xf32, #tpu.memory_space<hbm>> -> memref<8x1024xf32, #tpu.memory_space<hbm>>
      tpu.wait_dma2 semaphore(%run_scoped3A : memref<!tpu.dma_semaphore, #tpu.memory_space<semaphore_mem>>) src(%dma_wait3A_17 : memref<8x1024xf32, #tpu.memory_space<hbm>>) dst(%arg4 : memref<8x1024xf32, #tpu.memory_space<vmem>>)
      tpu.yield
    }) : () -> ()
    %iota3A = tpu.iota {dimensions = array<i32: 0>} : vector<16xi32>
    %broadcast_in_dim3A = arith.constant 0.000000e+00 : f32
    %broadcast_in_dim3A_3 = vector.broadcast %broadcast_in_dim3A : f32 to vector<16xf32>
    %get3A = arith.constant 0 : i32
    %get3A_4 = arith.index_cast %get3A : i32 to index
    %get3A_5 = arith.constant 0 : index
    %get3A_6 = tpu.vector_load %arg4[%get3A_4, %get3A_5] {strides = array<i32>} : memref<8x1024xf32, #tpu.memory_space<vmem>>, vector<1x16xf32>,
    %get3A_7 = vector.shape_cast %get3A_6 : vector<1x16xf32> to vector<16xf32>
    %add3A_8 = arith.addf %broadcast_in_dim3A_3, %get3A_7 : vector<16xf32>
    %swap3A = arith.constant 0 : index
    %swap3A_9 = tpu.vector_load %arg5[%swap3A] {strides = array<i32>} : memref<16xf32, #tpu.memory_space<vmem>>, vector<16xf32>,
    %swap3A_10 = vector.shape_cast %swap3A_9 : vector<16xf32> to vector<16xf32>
    %swap3A_11 = vector.shape_cast %add3A_8 : vector<16xf32> to vector<16xf32>
    tpu.vector_store %arg5[%swap3A], %swap3A_11 {strides = array<i32>} : memref<16xf32, #tpu.memory_space<vmem>>, vector<16xf32>,
    "tpu.region"() ({
      %run_scoped3A = tpu.sem_alloc : memref<!tpu.dma_semaphore, #tpu.memory_space<semaphore_mem>>
      %dma_start3A = arith.constant 0 : i32
      %dma_start3A_12 = tpu.memref_slice %arg3[%add3A, %dma_start3A] : memref<32x16xf32, #tpu.memory_space<hbm>> -> memref<1x16xf32, #tpu.memory_space<hbm>>
      %dma_start3A_13 = tpu.memref_squeeze %dma_start3A_12 : memref<1x16xf32, #tpu.memory_space<hbm>> -> memref<16xf32, #tpu.memory_space<hbm>>
      %dma_start3A_14 = arith.constant 0 : i32
      %dma_start3A_15 = tpu.memref_slice %arg3[%add3A, %dma_start3A_14] : memref<32x16xf32, #tpu.memory_space<hbm>> -> memref<1x16xf32, #tpu.memory_space<hbm>>
      %dma_start3A_16 = tpu.memref_squeeze %dma_start3A_15 : memref<1x16xf32, #tpu.memory_space<hbm>> -> memref<16xf32, #tpu.memory_space<hbm>>
      tpu.enqueue_dma source(%arg5 : memref<16xf32, #tpu.memory_space<vmem>>) target(%dma_start3A_16 : memref<16xf32, #tpu.memory_space<hbm>>) target_semaphore(%run_scoped3A : memref<!tpu.dma_semaphore, #tpu.memory_space<semaphore_mem>>)
      %dma_wait3A = arith.constant 0 : i32
      %dma_wait3A_17 = tpu.memref_slice %arg3[%add3A, %dma_wait3A] : memref<32x16xf32, #tpu.memory_space<hbm>> -> memref<1x16xf32, #tpu.memory_space<hbm>>
      %dma_wait3A_18 = tpu.memref_squeeze %dma_wait3A_17 : memref<1x16xf32, #tpu.memory_space<hbm>> -> memref<16xf32, #tpu.memory_space<hbm>>
      %dma_wait3A_19 = arith.constant 0 : i32
      %dma_wait3A_20 = tpu.memref_slice %arg3[%add3A, %dma_wait3A_19] : memref<32x16xf32, #tpu.memory_space<hbm>> -> memref<1x16xf32, #tpu.memory_space<hbm>>
      %dma_wait3A_21 = tpu.memref_squeeze %dma_wait3A_20 : memref<1x16xf32, #tpu.memory_space<hbm>> -> memref<16xf32, #tpu.memory_space<hbm>>
      tpu.wait_dma2 semaphore(%run_scoped3A : memref<!tpu.dma_semaphore, #tpu.memory_space<semaphore_mem>>) src(%arg5 : memref<16xf32, #tpu.memory_space<vmem>>) dst(%dma_wait3A_21 : memref<16xf32, #tpu.memory_space<hbm>>)
      tpu.yield
    }) : () -> ()
    return
  }
}

module attributes {stable_mosaic.version = 14 : i64} {
  func.func @_dist_body(%arg0: memref<256x256xf32, #tpu.memory_space<vmem>>, %arg1: memref<256x1024xf32, #tpu.memory_space<vmem>>, %arg2: memref<256x1024xf32, #tpu.memory_space<vmem>>) attributes {dimension_semantics = [], scalar_prefetch = 0 : i64, scratch_operands = 0 : i64, tpu.core_type = #tpu.core_type<tc>} {
    %get3A = arith.constant 0 : index
    %get3A_0 = arith.constant 0 : index
    %get3A_1 = vector.load %arg0[%get3A, %get3A_0] : memref<256x256xf32, #tpu.memory_space<vmem>>, vector<256x256xf32>
    %get3A_2 = arith.constant 0 : index
    %get3A_3 = arith.constant 0 : index
    %get3A_4 = vector.load %arg1[%get3A_2, %get3A_3] : memref<256x1024xf32, #tpu.memory_space<vmem>>, vector<256x1024xf32>
    %dot_general3A = arith.constant dense<0.000000e+00> : vector<256x1024xf32>
    %dot_general3A_5 = tpu.matmul %get3A_1, %get3A_4, %dot_general3A {dimension_numbers = #tpu.dot_dimension_numbers<[1], [0], [0], [1], [0, 0, 1, 1], [], []>, precision = #tpu.contract_precision<fp32>, transpose_lhs_hint = false} : vector<256x256xf32>, vector<256x1024xf32>, vector<256x1024xf32> -> vector<256x1024xf32>
    %mul3A = arith.mulf %get3A_4, %get3A_4 : vector<256x1024xf32>
    %reduce_sum3A = arith.constant dense<0.000000e+00> : vector<1024xf32>
    %reduce_sum3A_6 = vector.multi_reduction <add>, %mul3A, %reduce_sum3A [0] : vector<256x1024xf32> to vector<1024xf32>
    %broadcast_in_dim3A = vector.shape_cast %reduce_sum3A_6 : vector<1024xf32> to vector<1x1024xf32>
    %mul3A_7 = arith.mulf %get3A_1, %get3A_1 : vector<256x256xf32>
    %reduce_sum3A_8 = arith.constant dense<0.000000e+00> : vector<256xf32>
    %reduce_sum3A_9 = vector.multi_reduction <add>, %mul3A_7, %reduce_sum3A_8 [1] : vector<256x256xf32> to vector<256xf32>
    %broadcast_in_dim3A_10 = vector.shape_cast %reduce_sum3A_9 : vector<256xf32> to vector<256x1xf32>
    %mul3A_11 = arith.constant 2.000000e+00 : f32
    %mul3A_12 = vector.broadcast %mul3A_11 : f32 to vector<256x1024xf32>
    %mul3A_13 = arith.mulf %mul3A_12, %dot_general3A_5 : vector<256x1024xf32>
    %sub3A = vector.broadcast %broadcast_in_dim3A : vector<1x1024xf32> to vector<256x1024xf32>
    %sub3A_14 = arith.subf %sub3A, %mul3A_13 : vector<256x1024xf32>
    %add3A = vector.broadcast %broadcast_in_dim3A_10 : vector<256x1xf32> to vector<256x1024xf32>
    %add3A_15 = arith.addf %sub3A_14, %add3A : vector<256x1024xf32>
    %swap3A = arith.constant 0 : index
    %swap3A_16 = arith.constant 0 : index
    %swap3A_17 = vector.load %arg2[%swap3A, %swap3A_16] : memref<256x1024xf32, #tpu.memory_space<vmem>>, vector<256x1024xf32>
    tpu.vector_store %arg2[%swap3A, %swap3A_16], %add3A_15 {strides = array<i32>} : memref<256x1024xf32, #tpu.memory_space<vmem>>, vector<256x1024xf32>,
    return
  }
}

</mosaic_0001>

<sc_bundles>
// kernel: kernel.4.cloned.1.call-start
scs
__scs_entry_jumppad:
0x0: {  	(pc) =	sbr.rel $0x88, $3  }
0x1: {  	(tag) =	ssettag $0x0;
	lr =	simm.s32 $0x1  }
0x2: {  	[smem:$0x3F9F] =	sst lr;
	_ =	strace $0xD0000000  }
0x3: {  	_ = 	snop  }
0x4: {  	_ = 	snop  }
0x5: {  	_ = 	snop  }
0x6: {  	_ = 	snop  }
0x7: {  	_ = 	snop  }
__scs_overlays_trampoline_lowered:
0x8: {  	[smem:$0x3FAE] =	sst s0  }
0x9: {  	[smem:$0x3FAF] =	sst s1  }
0xa: {  	[smem:$0x3FB0] =	sst s2  }
0xb: {  	[smem:$0x3FB1] =	sst s3  }
0xc: {  	[smem:$0x3FB2] =	sst s4  }
0xd: {  	[smem:$0x3FB3] =	sst s5  }
0xe: {  	[smem:$0x3FB4] =	sst s6  }
0xf: {  	[smem:$0x3FB5] =	sst s7  }
0x10: {  	[smem:$0x3FB6] =	sst s8  }
0x11: {  	[smem:$0x3FB7] =	sst s9;
	s0 =	simm.s32 @!p0 $0x0  }
0x12: {  	s1 =	sld [smem:$0x3F9D];
	s0 =	simm.s32 @p0 $0x1  }
0x13: {  	[smem:$0x3FB8] =	sst s0;
	s0 =	simm.s32 @!p1 $0x0  }
0x14: {  	s2 =	sld [smem:$0x3F9C];
	s0 =	simm.s32 @p1 $0x1  }
0x15: {  	[smem:$0x3FB9] =	sst s0;
	s0 =	simm.s32 @!p2 $0x0  }
0x16: {  	s3 =	sld [smem:$0x3FDB];
	s0 =	simm.s32 @p2 $0x1  }
0x17: {  	s4 =	simm.s32 $0x1BF5;
	[smem:$0x3FBB] =	sst s0  }
0x18: {  	s0 =	sld [smem:$0x3F9E];
	_ =	swait.ge [sflag:s4], $0x0  }
0x19: {  	s7 =	sld [smem:$0x3F9F]  }
0x1a: {  	s8 =	sadd.s32 $0xFFFFE003, lr  }
0x1b: {  	s9 =	sadd.s32 $0xFFFFFEF7, lr;
	s5 =	simm.s32 $0xFFFFFFFF;
	p2 =	slt.u32 s8, $0xFFFFF086  }
0x1c: {  	p1 =	slt.u32 s9, $0xF7A;
	s5 =	simm.s32 @!p2 $0x0  }
0x1d: {  	s5 =	simm.s32 @p1 $0x1;
	p0 =	seq.s32 s7, s2  }
0x1e: {  	s7 =	smul.u32 @!p0 $0xF7A, s2;
	p2 =	seq.s32 @!p0 s5, $0x0  }
0x1f: {  	s9 =	smul.u32 $0xF7A, s1;
	s8 =	simm.s32 @!p0 $0x1BF5;
	p2 =	por !p2, p0  }
0x20: {  	[sflag:s8] =	ssyncset.s32 @!p0 $0xFFFFF086;
	s6 =	sadd.s32 @!p0 s3, s7;
	s7 =	simm.s32 @!p0 $0x108  }
0x21: {  	s3 =	sadd.s32 s3, s9;
	s6 =	sadd.s32 @!p0 $0x88, s6;
	s7 =	simm.s32 @p2 $0x1082  }
0x22: {  	[simem:s7], [sflag:s8] =	dma.local @!p0 [hbm:s6], $0xF7A  }
0x23: {  	s9 =	sor.u32 $0xD0000000, s2;
	s6 =	simm.s32 $0x108;
	_ =	swait.ge @!p0 [sflag:s8], $0x0  }
0x24: {  	s3 =	sadd.s32 $0x88, s3;
	s6 =	simm.s32 @!p1 $0x1082;
	[sflag:s4] =	ssyncset.s32 $0xFFFFF086  }
0x25: {  	[simem:s6], [sflag:s4] =	dma.local [hbm:s3], $0xF7A  }
0x26: {  	[smem:$0x3F9F] =	sst s1;
	(tag) =	ssettag s2;
	_ =	strace s9  }
0x27: {  	s1 =	sld [smem:$0x3FAF]  }
0x28: {  	s2 =	sld [smem:$0x3FB0]  }
0x29: {  	s4 =	sld [smem:$0x3FB2]  }
0x2a: {  	p0 =	seq.s32 s5, $0x0;
	s5 =	sld [smem:$0x3FB3]  }
0x2b: {  	s6 =	sld [smem:$0x3FB4]  }
0x2c: {  	s7 =	sld [smem:$0x3FB5]  }
0x2d: {  	s3 =	simm.s32 $0x108;
	s8 =	sld [smem:$0x3FB6]  }
0x2e: {  	s3 =	simm.s32 @!p0 $0x1082;
	s9 =	sld [smem:$0x3FB7]  }
0x2f: {  	lr =	sadd.s32 s0, s3;
	s0 =	sld [smem:$0x3FAE]  }
0x30: {  	s3 =	sld [smem:$0x3FB1]  }
0x31: {  	[smem:$0x3FBA] =	sst s10  }
0x32: {  	s10 =	sld [smem:$0x3FB8];
	_ =	sdelay $0x3  }
0x33: {  	p0 =	seq.s32 s10, $0x1;
	s10 =	sld [smem:$0x3FBA];
	_ =	sdelay $0x3  }
0x34: {  	[smem:$0x3FBA] =	sst s10  }
0x35: {  	s10 =	sld [smem:$0x3FB9];
	_ =	sdelay $0x3  }
0x36: {  	p1 =	seq.s32 s10, $0x1;
	s10 =	sld [smem:$0x3FBA];
	_ =	sdelay $0x3  }
0x37: {  	[smem:$0x3FBA] =	sst s10  }
0x38: {  	s10 =	sld [smem:$0x3FBB]  }
0x39: {  	_ = 	snop;
	(pc) =	sbr.ind lr, $3  }
0x3a: {  	_ = 	snop  }
0x3b: {  	_ = 	snop  }
0x3c: {  	p2 =	seq.s32 s10, $0x1;
	s10 =	sld [smem:$0x3FBA]  }
0x3d: {  	_ =	shalt  }
0x3e: {  	_ =	shalt  }
0x3f: {  	_ =	shalt  }
0x40: {  	_ =	shalt  }
0x41: {  	_ =	shalt  }
0x42: {  	_ =	shalt  }
0x43: {  	_ =	shalt  }
0x44: {  	_ =	shalt  }
0x45: {  	_ =	shalt  }
0x46: {  	_ =	shalt  }
0x47: {  	_ =	shalt  }
0x48: {  	_ =	shalt  }
0x49: {  	_ =	shalt  }
0x4a: {  	_ =	shalt  }
0x4b: {  	_ =	shalt  }
0x4c: {  	_ =	shalt  }
0x4d: {  	_ =	shalt  }
0x4e: {  	_ =	shalt  }
0x4f: {  	_ =	shalt  }
0x50: {  	_ =	shalt  }
0x51: {  	_ =	shalt  }
0x52: {  	_ =	shalt  }
0x53: {  	_ =	shalt  }
0x54: {  	_ =	shalt  }
0x55: {  	_ =	shalt  }
0x56: {  	_ =	shalt  }
0x57: {  	_ =	shalt  }
0x58: {  	_ =	shalt  }
0x59: {  	_ =	shalt  }
0x5a: {  	_ =	shalt  }
0x5b: {  	_ =	shalt  }
0x5c: {  	_ =	shalt  }
0x5d: {  	_ =	shalt  }
0x5e: {  	_ =	shalt  }
0x5f: {  	_ =	shalt  }
0x60: {  	_ =	shalt  }
0x61: {  	_ =	shalt  }
0x62: {  	_ =	shalt  }
0x63: {  	_ =	shalt  }
0x64: {  	_ =	shalt  }
0x65: {  	_ =	shalt  }
0x66: {  	_ =	shalt  }
0x67: {  	_ =	shalt  }
0x68: {  	_ =	shalt  }
0x69: {  	_ =	shalt  }
0x6a: {  	_ =	shalt  }
0x6b: {  	_ =	shalt  }
0x6c: {  	_ =	shalt  }
0x6d: {  	_ =	shalt  }
0x6e: {  	_ =	shalt  }
0x6f: {  	_ =	shalt  }
0x70: {  	_ =	shalt  }
0x71: {  	_ =	shalt  }
0x72: {  	_ =	shalt  }
0x73: {  	_ =	shalt  }
0x74: {  	_ =	shalt  }
0x75: {  	_ =	shalt  }
0x76: {  	_ =	shalt  }
0x77: {  	_ =	shalt  }
0x78: {  	_ =	shalt  }
0x79: {  	_ =	shalt  }
0x7a: {  	_ =	shalt  }
0x7b: {  	_ =	shalt  }
0x7c: {  	_ =	shalt  }
0x7d: {  	_ =	shalt  }
0x7e: {  	_ =	shalt  }
0x7f: {  	_ =	shalt  }
0x80: {  	_ =	shalt  }
0x81: {  	_ =	shalt  }
0x82: {  	_ =	shalt  }
0x83: {  	_ =	shalt  }
0x84: {  	_ =	shalt  }
0x85: {  	_ =	shalt  }
0x86: {  	_ =	shalt  }
0x87: {  	_ =	shalt  }
.Lfunc_end0:
.L_simem_size_0:
called_computation_lowered:
.L_overlay_start_0:
0x88: {  	s2 =	sld [smem:$0x3FD9]  }
0x89: {  	s3 =	sld [smem:$0x3FFE];
	_ =	sdelay $0x1  }
0x8a: {  	s1 =	srdreg.scid  }
0x8b: {  	s0 =	sand.u32 $0x1, s1  }
0x8c: {  	s14 =	sshll.u32 s0, $0xA;
	s2 =	sadd.s32 s3, s2  }
0x8d: {  	s2 =	sadd.s32 s2, s14  }
0x8e: {  	[smem:$0x3FC6] =	sst s2  }
0x8f: {  	_ = 	snop  }
0x90: {  	s2 =	sld [smem:$0x3FD0];
	_ =	sdelay $0x2  }
0x91: {  	s15 =	simm.s32 $0xA;
	s4 =	simm.s32 $0x10  }
0x92: {  	[smem:s4], [sflag:s15] =	dma.local [hbm:s2], $0x1  }
0x93: {  	_ =	swait.eq [sflag:s15], $0x1  }
0x94: {  	[sflag:s15] =	ssyncset.done $0x0  }
0x95: {  	[sflag:s15] =	ssyncadd.s32 $0xFFFFFFFF  }
0x96: {  	s16 =	sld [smem:$0x10];
	(tm) =	ssettm $0x1  }
0x97: {  	s17 =	sld [smem:$0x3FFB];
	_ =	sdelay $0x3  }
0x98: {  	_ =	strace s17  }
0x99: {  	s3 =	sld [smem:$0x3FFC];
	_ =	sdelay $0x3  }
0x9a: {  	_ =	strace s3  }
0x9b: {  	s3 =	sld [smem:$0x3FFD];
	_ =	sdelay $0x3  }
0x9c: {  	_ =	strace s3  }
0x9d: {  	_ =	strace $0x8FFFFFFF  }
0x9e: {  	s18 =	sld [smem:$0x3FDB];
	_ =	sdelay $0x1  }
0x9f: {  	s19 =	simm.s32 $_scs_section_size  }
0xa0: {  	s5 =	simm.s32 $_size__tile_overlayer_lowered;
	s6 =	simm.s32 $_tile_overlayer_lowered  }
0xa1: {  	s22 =	simm.s32 $0x1BFF;
	s21 =	sshll.u32 s6, $0x1;
	s3 =	sadd.s32 s19, s18  }
0xa2: {  	s7 =	simm.s32 $0x0;
	s20 =	sshll.u32 s5, $0x1;
	s5 =	sadd.s32 s21, s3  }
0xa3: {  	[timem:s7], [sflag:s22] =	dma.local [hbm:s5], s20  }
0xa4: {  	_ =	swait.ge [sflag:s22], s20  }
0xa5: {  	s4 =	ssub.s32 $0x0, s20;
	[sflag:s22] =	ssyncset.done $0x0  }
0xa6: {  	[sflag:s22] =	ssyncadd.s32 s4;
	_ =	sdelay $0x1  }
0xa7: {  	s23 =	simm.s32 $0x1B8B  }
0xa8: {  	_ =	swait.ge [sflag:s23], $0x1  }
0xa9: {  	[sflag:s23] =	ssyncset.done $0x0  }
0xaa: {  	s25 =	simm.s32 $0x1B8E;
	s24 =	sld [smem:$0x3FFE];
	[sflag:s23] =	ssyncadd.s32 $0xFFFFFFFF  }
0xab: {  	s26 =	simm.s32 $execute0_lowered;
	[smem:$0x3FD2] =	sst s25  }
0xac: {  	s5 =	sshll.u32 s26, $0x1;
	_ =	strace $0x80000046;
	[dreg:$0x1] =	wrdreg $0xFFFFFFFF  }
0xad: {  	s28 =	simm.s32 $_size_execute0_lowered;
	s3 =	sadd.s32 s3, s5;
	[dreg:$0x0] =	wrdreg $0x0  }
0xae: {  	s5 =	sshll.u32 s28, $0x1;
	[dreg:$0x2] =	wrdreg s3  }
0xaf: {  	[dreg:$0x3] =	wrdreg s5  }
0xb0: {  	[dreg:$0x4] =	wrdreg $0xC0  }
0xb1: {  	_ =	task [dreg:s7], $0x5FFFF  }
0xb2: {  	[dreg:$0x1] =	wrdreg $0xFFFFFFFF  }
0xb3: {  	[dreg:$0x0] =	wrdreg $0x60  }
0xb4: {  	[dreg:$0x2] =	wrdreg s16  }
0xb5: {  	[dreg:$0x3] =	wrdreg s24  }
0xb6: {  	[dreg:$0x4] =	wrdreg $0x9  }
0xb7: {  	_ =	task.clear_ibuf [dreg:s7], $0x5FFFF;
	_ =	strace $0x90000046  }
0xb8: {  	s29 =	simm.s32 $0x9;
	_ =	strace $0x80000048  }
0xb9: {  	_ =	swait.ge [sflag:s29], $0x1  }
0xba: {  	[sflag:s29] =	ssyncadd.s32 $0xFFFFFFFF  }
0xbb: {  	_ =	strace $0x90000048  }
0xbc: {  	_ =	sfence  }
0xbd: {  	s30 =	sld [smem:$0x0];
	_ =	sdelay $0x2  }
0xbe: {  	s31 =	sshll.u32 s1, $0xD;
	s1 =	sshrl.u32 s1, $0x2  }
0xbf: {  	s3 =	sand.u32 $0x4000, s31;
	s1 =	sadd.s32 s1, s30  }
0xc0: {  	s0 =	sor.u32 s3, s0;
	s1 =	sshll.u32 s1, $0x11  }
0xc1: {  	s0 =	sor.u32 s1, s0  }
0xc2: {  	s0 =	sadd.s32 $0x8F2B, s0  }
0xc3: {  	[sflag:s0] =	ssyncadd.remote.s32 $0x1  }
0xc4: {  	_ =	sfence.sel $0xFFFF  }
0xc5: {  	[dreg:$0x0] =	wrdreg $0xFFFFFFFF;
	(pc) =	sbr.abs _section_cstart, $3  }
0xc6: {  	[dreg:$0x1] =	wrdreg $0xFFFFFFFF  }
0xc7: {  	_ =	task.clear_ibuf [dreg:s7], $0x2FFFF;
	_ =	strace $0x9FFFFFFF  }
0xc8: {  	(tm) =	ssettm $0x7FFFFFFF  }
0xc9: {  	_ =	shalt  }
tec
execute0_lowered:
.L_overlay_start_1:
0x0: {  	(tag) =	ssettag $0x1  }
0x1: {  	s3 =	rddreg [dreg:$0x0]  }
0x2: {  	s1 =	srdreg.scid;
	s0 =	stileid.u32  }
0x3: {  	s5 =	rddreg [dreg:$0x1];
	s6 =	sand.u32 $0x1, s1;
	s4 =	sshll.u32 s0, $0x1  }
0x4: {  	s2 =	simm.s32 $0x0;
	s1 =	rddreg [dreg:$0x2];
	s7 =	sor.u32 s6, s4  }
0x5: {  	[smem:$0x7FF] =	sst s2;
	s4 =	sshll.u32 s7, $0xA  }
0x6: {  	_ =	strace $0x80000047;
	s4 =	sadd.s32 s3, s4;
	s3 =	simm.s32 $0x1  }
0x7: {  	[tilespmem:s2], [sflag:$0x1] =	stream.linear.gather [hbm4b:s4+s2], $0x2000, $0x38;
	[tilespmem:$0x2080] =	vst v63  }
0x8: {  	_ =	swait.ge [sflag:s3], $0x2000  }
0x9: {  	[sflag:s3] =	ssyncset.done $0x0  }
0xa: {  	[sflag:s3] =	ssyncadd.s32 $0xFFFFE000  }
0xb: {  	v0 =	vld [tilespmem:$0x0]  }
0xc: {  	s6 =	ssub.s32 $0x2, s6  }
0xd: {  	s8 =	sshrl.u32 s6, $0x1  }
0xe: {  	s6 =	ssub.s32 s6, s8  }
0xf: {  	s31 =	smax.u32 s6, $0x1  }
0x10: {  	s7 =	sshll.u32 s7, $0x4;
	p0 =	sne.s32 s31, $0x1;
	v0 =	vadd.f32 $0.0e+00, v0  }
.Ltmp0:
0x11: {  	s5 =	sadd.s32 s7, s5;
	(pc) =	sbr.rel @!p0 .LBB2_2-.Ltmp0, $4  }
0x12: {  	s5 =	sadd.s32 $0x600, s5;
	s6 =	simm.s32 $0x2000;
	[tilespmem:$0x2000] =	vst v0  }
0x13: {  	[hbm4b:s5+s2] =	stream.linear.scatter [tilespmem:s6], [sflag:$0x1], $0x80, $0x38;
	[tilespmem:$0x2080] =	vst v63  }
0x14: {  	_ =	swait.ge [sflag:s3], $0x80  }
0x15: {  	s7 =	sadd.s32 $0xFFFFFFFF, s31;
	[sflag:s3] =	ssyncset.done $0x0  }
.LBB2_1:
0x16: {  	p0 =	sne.s32 s7, $0x1;
	s7 =	sadd.s32 $0xFFFFFFFF, s7;
	[sflag:s3] =	ssyncadd.s32 $0xFFFFFF80  }
0x17: {  	[tilespmem:s2], [sflag:$0x1] =	stream.linear.gather [hbm4b:s4+s2], $0x2000, $0x38;
	[tilespmem:$0x2080] =	vst v63  }
0x18: {  	_ =	swait.ge [sflag:s3], $0x2000  }
0x19: {  	[sflag:s3] =	ssyncset.done $0x0  }
0x1a: {  	[sflag:s3] =	ssyncadd.s32 $0xFFFFE000  }
0x1b: {  	v0 =	vld [tilespmem:$0x0];
	_ =	sdelay $0x4  }
0x1c: {  	v0 =	vadd.f32 $0.0e+00, v0  }
.Ltmp1:
0x1d: {  	(pc) =	sbr.rel @p0 .LBB2_1-.Ltmp1, $4  }
0x1e: {  	[tilespmem:$0x2000] =	vst v0  }
0x1f: {  	[hbm4b:s5+s2] =	stream.linear.scatter [tilespmem:s6], [sflag:$0x1], $0x80, $0x38;
	[tilespmem:$0x2080] =	vst v63  }
0x20: {  	_ =	swait.ge [sflag:s3], $0x80  }
0x21: {  	[sflag:s3] =	ssyncset.done $0x0  }
.LBB2_2:
0x22: {  	[sflag:s3] =	ssyncadd.s32 $0xFFFFFF80  }
0x23: {  	_ =	sfence.sel $0x180000  }
0x24: {  	[bflag:$0x0] =	sbarrier.arrive $0xFFFF  }
0x25: {  	p0 =	sne.s32 s0, $0x0;
	_ =	strace $0x90000047  }
0x26: {  	s0 =	sadd.s32 @!p0 $0x100000, s1;
	[bflag:$0x2] =	sbarrier.arrive $0xFFFF  }
0x27: {  	[sflag:s0] =	ssyncadd.tile.s32 @!p0 $0x1;
	_ =	shalt  }
.Lfunc_end2:
_tile_overlayer_lowered:
.L_overlay_start_2:
0x28: {  	(tag) =	ssettag $0x2  }
0x29: {  	s0 =	rddreg [dreg:$0x0];
	s2 =	stileid.u32  }
0x2a: {  	s1 =	rddreg [dreg:$0x1];
	p0 =	sne.s32 s2, $0x0  }
0x2b: {  	s3 =	rddreg [dreg:$0x2];
	[bflag:$0x3] =	sbarrier.arrive $0xFFFF;
	s2 =	simm.s32 @!p0 $0x1C01  }
0x2c: {  	[timem:s3], [sflag:s2] =	dma.local @!p0 [hbm:s0], s1  }
0x2d: {  	s0 =	simm.s32 @!p0 $0x1  }
0x2e: {  	_ =	swait.ge @!p0 [sflag:s0], s1  }
0x2f: {  	s1 =	ssub.s32 @!p0 $0x0, s1;
	[sflag:s0] =	ssyncset.done @!p0 $0x0  }
0x30: {  	[sflag:s0] =	ssyncadd.s32 @!p0 s1  }
0x31: {  	[bflag:$0x3] =	sbarrier.arrive $0xFFFF  }
0x32: {  	_ =	shalt  }

</sc_bundles>
